<compile_context>
chip_gen: v7x
topology: tpu7x:2x2x1
jax: 0.10.2.dev20260603
libtpu: 0.0.44.dev20260713+nightly
codegen_flags: <defaults>
</compile_context>

<pallas_src>
import functools

import jax
import jax.numpy as jnp
from jax import lax
from jax.experimental import pallas as pl
from jax.experimental.pallas import tpu as pltpu
from jax.experimental.pallas import tpu_sc as plsc

NUM_ACT = 4096
SIZE = 256
BATCH = 4096

NC = 2
NS = 16
L = 16
NW = NC * NS
P_PER_W = NUM_ACT // NW
NPV = P_PER_W // L
QC = 128
QCP = QC + 1
NCHUNK = BATCH // QC
NPAIR = NCHUNK // 2


def _make_sc_kernel():
    mesh = plsc.VectorSubcoreMesh(core_axis_name="c", subcore_axis_name="s")

    @functools.partial(
        pl.kernel,
        out_type=jax.ShapeDtypeStruct((NUM_ACT, BATCH), jnp.float32),
        mesh=mesh,
        compiler_params=pltpu.CompilerParams(
            use_tc_tiling_on_sc=False, needs_layout_passes=False,
            disable_bounds_checks=True),
        scratch_types=[
            pltpu.VMEM((QC, P_PER_W), jnp.float32),
            pltpu.VMEM((QC, P_PER_W), jnp.float32),
            pltpu.VMEM((P_PER_W * SIZE,), jnp.float32),
            pltpu.VMEM((BATCH,), jnp.float32),
            pltpu.VMEM((SIZE * L,), jnp.float32),
            pltpu.VMEM((3, L), jnp.float32),
            pltpu.VMEM((P_PER_W, QCP), jnp.float32),
            pltpu.VMEM((P_PER_W, QCP), jnp.float32),
            pltpu.SemaphoreType.DMA,
            pltpu.SemaphoreType.DMA,
            pltpu.SemaphoreType.DMA,
            pltpu.SemaphoreType.DMA,
        ],
    )
    def k(x_hbm, coef_hbm, scal_hbm, knots_hbm, par_hbm, out_hbm,
          xv0, xv1, cv, sv, kv, pv, ov0, ov1, sin0, sin1, sout0, sout1):
        wid = lax.axis_index("s") * NC + lax.axis_index("c")
        p0 = wid * P_PER_W

        pltpu.sync_copy(coef_hbm.at[pl.ds(p0 * SIZE, P_PER_W * SIZE)], cv)
        pltpu.sync_copy(scal_hbm, sv)
        pltpu.sync_copy(knots_hbm, kv)
        pltpu.sync_copy(par_hbm, pv)

        vlo = pv[0]
        vh = pv[1]
        vinv_h = pv[2]
        vlo_h = vlo * vinv_h
        viota = lax.iota(jnp.int32, L)
        kmax = jnp.full((L,), SIZE - 2, jnp.int32)
        kzero = jnp.full((L,), 0, jnp.int32)

        def xsrc(c):
            return x_hbm.at[pl.ds(c * QC, QC), pl.ds(p0, P_PER_W)]

        def odst(c):
            return out_hbm.at[pl.ds(p0, P_PER_W), pl.ds(c * QC, QC)]

        def compute(c, xvb, ovb):
            pass

        pltpu.async_copy(xsrc(0), xv0, sin0)

        def pair_body(i, _):
            c0 = 2 * i
            c1 = c0 + 1
            pltpu.async_copy(xsrc(c1), xv1, sin1)
            pltpu.make_async_copy(xsrc(c0), xv0, sin0).wait()

            @pl.when(i > 0)
            def _():
                pltpu.make_async_copy(
                    ov0.at[:, pl.ds(0, QC)], odst(c0 - 2), sout0).wait()

            compute(c0, xv0, ov0)
            pltpu.async_copy(ov0.at[:, pl.ds(0, QC)], odst(c0), sout0)

            @pl.when(i < NPAIR - 1)
            def _():
                pltpu.async_copy(xsrc(c0 + 2), xv0, sin0)

            pltpu.make_async_copy(xsrc(c1), xv1, sin1).wait()

            @pl.when(i > 0)
            def _():
                pltpu.make_async_copy(
                    ov1.at[:, pl.ds(0, QC)], odst(c1 - 2), sout1).wait()

            compute(c1, xv1, ov1)
            pltpu.async_copy(ov1.at[:, pl.ds(0, QC)], odst(c1), sout1)
            return 0

        lax.fori_loop(0, NPAIR, pair_body, 0)
        pltpu.make_async_copy(
            ov0.at[:, pl.ds(0, QC)], odst(NCHUNK - 2), sout0).wait()
        pltpu.make_async_copy(
            ov1.at[:, pl.ds(0, QC)], odst(NCHUNK - 1), sout1).wait()

    return k


_sc_spline = _make_sc_kernel()


def kernel(x, coefficients_vect, scaling, knots):
    x2 = x.reshape(BATCH, NUM_ACT)
    scal1 = scaling.reshape(NUM_ACT)
    krow = knots[0]
    krep = jnp.tile(krow[:, None], (1, L)).reshape(-1)
    lo = krow[0]
    h = (krow[SIZE - 1] - krow[0]) / jnp.float32(SIZE - 1)
    inv_h = jnp.float32(1.0) / h
    params = jnp.stack([
        jnp.full((L,), lo, jnp.float32),
        jnp.full((L,), h, jnp.float32),
        jnp.full((L,), inv_h, jnp.float32),
    ])
    out2 = _sc_spline(x2, coefficients_vect, scal1, krep, params)
    return out2.reshape(x.shape)

# --- scband reference (transcript-rebuilt; emitter-appended) ---
"""Pipeline reference for scband-linear-spline-slope-constrained-28784870818187 (READ-ONLY COPY).

The authoritative reference and input builder live on the scoring server;
editing this copy changes nothing except your own understanding.
"""

import jax, jax.numpy as jnp
import numpy as np

NUM_ACT = 4096
SIZE = 256
BATCH = 4096
RANGE_ = 4.0


def setup_inputs(seed: int = 0) -> dict:
    key = jax.random.key(seed)
    x = jax.random.normal(key, (BATCH, NUM_ACT, 1, 1), dtype=jnp.float32)
    # uniform_grid=True: nodal_val_loc_tensor = linspace(-range_, range_, size) expanded to (num_activations, size)
    knots = jnp.broadcast_to(jnp.linspace(-RANGE_, RANGE_, SIZE, dtype=jnp.float32), (NUM_ACT, SIZE))
    knots = jnp.asarray(knots)
    # init == 'relu': coefficients = relu(nodal_val_loc_tensor)
    coefficients = jax.nn.relu(knots)
    coefficients_vect = coefficients.reshape(-1)
    scaling = jnp.ones((1, NUM_ACT, 1, 1), dtype=jnp.float32)
    return {"x": x, "coefficients_vect": coefficients_vect, "scaling": scaling, "knots": knots}


def _spline_forward(x, coefficients_vect, scaling, knots):
    A, S = knots.shape
    # x.squeeze(-1).squeeze(-1).transpose(0, 1) -> (num_activations, batch)
    x_t = jnp.transpose(jnp.squeeze(jnp.squeeze(x, -1), -1), (1, 0))
    # torch.searchsorted(right=False) == jnp.searchsorted(side='left'), row-wise
    left = jax.vmap(lambda kr, xr: jnp.searchsorted(kr, xr))(knots, x_t) - 1
    left = jnp.clip(left, 0, S - 2)
    lv = jnp.take_along_axis(knots, left, axis=1)
    rv = jnp.take_along_axis(knots, left + 1, axis=1)
    left_basis = (x_t - lv) / (rv - lv)
    zero_knot_indexes = (jnp.arange(A) * S)[:, None]
    idx = left + zero_knot_indexes
    out = coefficients_vect[idx] * left_basis + coefficients_vect[idx + 1] * (1.0 - left_basis)
    # faithful to torch: activation_output.view(x.shape) with NO transpose back
    out = out.reshape(x.shape)
    return out * scaling


def reference(x, coefficients_vect, scaling, knots):
    return _spline_forward(x, coefficients_vect, scaling, knots)

if __name__ == "__main__":
    import jax
    _d = setup_inputs()
    print(jax.jit(kernel)(*tuple(_d.values())))

</pallas_src>

<mosaic_0001>
#map = affine_map<(d0, d1) -> (0, 0)>
#map1 = affine_map<(d0, d1) -> (0)>
module attributes {stable_mosaic.version = 14 : i64} {
  func.func @k(%arg0: i32, %arg1: i32, %arg2: memref<4096x4096xf32, #tpu.memory_space<hbm>>, %arg3: memref<1048576xf32, #tpu.memory_space<hbm>>, %arg4: memref<4096xf32, #tpu.memory_space<hbm>>, %arg5: memref<4096xf32, #tpu.memory_space<hbm>>, %arg6: memref<3x16xf32, #tpu.memory_space<hbm>>, %arg7: memref<4096x4096xf32, #tpu.memory_space<hbm>>, %arg8: memref<128x128xf32, #tpu.memory_space<vmem>>, %arg9: memref<128x128xf32, #tpu.memory_space<vmem>>, %arg10: memref<32768xf32, #tpu.memory_space<vmem>>, %arg11: memref<4096xf32, #tpu.memory_space<vmem>>, %arg12: memref<4096xf32, #tpu.memory_space<vmem>>, %arg13: memref<3x16xf32, #tpu.memory_space<vmem>>, %arg14: memref<128x129xf32, #tpu.memory_space<vmem>>, %arg15: memref<128x129xf32, #tpu.memory_space<vmem>>, %arg16: memref<!tpu.dma_semaphore, #tpu.memory_space<semaphore_mem>>, %arg17: memref<!tpu.dma_semaphore, #tpu.memory_space<semaphore_mem>>, %arg18: memref<!tpu.dma_semaphore, #tpu.memory_space<semaphore_mem>>, %arg19: memref<!tpu.dma_semaphore, #tpu.memory_space<semaphore_mem>>) attributes {dimension_semantics = [#tpu.dimension_semantics<core_parallel>, #tpu.dimension_semantics<subcore_parallel>], iteration_bounds = array<i64: 2, 16>, scalar_prefetch = 0 : i64, scratch_operands = 12 : i64, tpu.core_type = #tpu.core_type<sc_vector_subcore>, window_params = [{transform_indices = #map}, {transform_indices = #map1}, {transform_indices = #map1}, {transform_indices = #map1}, {transform_indices = #map}, {transform_indices = #map}]} {
    %mul3A = arith.constant 2 : i32
    %mul3A_0 = arith.muli %arg1, %mul3A : i32
    %add3A = arith.addi %mul3A_0, %arg0 : i32
    %mul3A_1 = arith.constant 128 : i32
    %mul3A_2 = arith.muli %add3A, %mul3A_1 : i32
    %mul3A_3 = arith.constant 256 : i32
    %mul3A_4 = arith.muli %mul3A_2, %mul3A_3 : i32
    "tpu.region"() ({
      %run_scoped3A = tpu.sem_alloc : memref<!tpu.dma_semaphore, #tpu.memory_space<semaphore_mem>>
      %dma_start3A_48 = tpu.memref_slice %arg3[%mul3A_4] : memref<1048576xf32, #tpu.memory_space<hbm>> -> memref<32768xf32, #tpu.memory_space<hbm>>
      %dma_start3A_49 = tpu.memref_slice %arg3[%mul3A_4] : memref<1048576xf32, #tpu.memory_space<hbm>> -> memref<32768xf32, #tpu.memory_space<hbm>>
      tpu.enqueue_dma source(%dma_start3A_49 : memref<32768xf32, #tpu.memory_space<hbm>>) target(%arg10 : memref<32768xf32, #tpu.memory_space<vmem>>) target_semaphore(%run_scoped3A : memref<!tpu.dma_semaphore, #tpu.memory_space<semaphore_mem>>)
      %dma_wait3A_50 = tpu.memref_slice %arg3[%mul3A_4] : memref<1048576xf32, #tpu.memory_space<hbm>> -> memref<32768xf32, #tpu.memory_space<hbm>>
      %dma_wait3A_51 = tpu.memref_slice %arg3[%mul3A_4] : memref<1048576xf32, #tpu.memory_space<hbm>> -> memref<32768xf32, #tpu.memory_space<hbm>>
      tpu.wait_dma2 semaphore(%run_scoped3A : memref<!tpu.dma_semaphore, #tpu.memory_space<semaphore_mem>>) src(%dma_wait3A_51 : memref<32768xf32, #tpu.memory_space<hbm>>) dst(%arg10 : memref<32768xf32, #tpu.memory_space<vmem>>)
      tpu.yield
    }) : () -> ()
    "tpu.region"() ({
      %run_scoped3A = tpu.sem_alloc : memref<!tpu.dma_semaphore, #tpu.memory_space<semaphore_mem>>
      tpu.enqueue_dma source(%arg4 : memref<4096xf32, #tpu.memory_space<hbm>>) target(%arg11 : memref<4096xf32, #tpu.memory_space<vmem>>) target_semaphore(%run_scoped3A : memref<!tpu.dma_semaphore, #tpu.memory_space<semaphore_mem>>)
      tpu.wait_dma2 semaphore(%run_scoped3A : memref<!tpu.dma_semaphore, #tpu.memory_space<semaphore_mem>>) src(%arg4 : memref<4096xf32, #tpu.memory_space<hbm>>) dst(%arg11 : memref<4096xf32, #tpu.memory_space<vmem>>)
      tpu.yield
    }) : () -> ()
    "tpu.region"() ({
      %run_scoped3A = tpu.sem_alloc : memref<!tpu.dma_semaphore, #tpu.memory_space<semaphore_mem>>
      tpu.enqueue_dma source(%arg5 : memref<4096xf32, #tpu.memory_space<hbm>>) target(%arg12 : memref<4096xf32, #tpu.memory_space<vmem>>) target_semaphore(%run_scoped3A : memref<!tpu.dma_semaphore, #tpu.memory_space<semaphore_mem>>)
      tpu.wait_dma2 semaphore(%run_scoped3A : memref<!tpu.dma_semaphore, #tpu.memory_space<semaphore_mem>>) src(%arg5 : memref<4096xf32, #tpu.memory_space<hbm>>) dst(%arg12 : memref<4096xf32, #tpu.memory_space<vmem>>)
      tpu.yield
    }) : () -> ()
    "tpu.region"() ({
      %run_scoped3A = tpu.sem_alloc : memref<!tpu.dma_semaphore, #tpu.memory_space<semaphore_mem>>
      tpu.enqueue_dma source(%arg6 : memref<3x16xf32, #tpu.memory_space<hbm>>) target(%arg13 : memref<3x16xf32, #tpu.memory_space<vmem>>) target_semaphore(%run_scoped3A : memref<!tpu.dma_semaphore, #tpu.memory_space<semaphore_mem>>)
      tpu.wait_dma2 semaphore(%run_scoped3A : memref<!tpu.dma_semaphore, #tpu.memory_space<semaphore_mem>>) src(%arg6 : memref<3x16xf32, #tpu.memory_space<hbm>>) dst(%arg13 : memref<3x16xf32, #tpu.memory_space<vmem>>)
      tpu.yield
    }) : () -> ()
    %get3A = arith.constant 0 : i32
    %get3A_5 = arith.index_cast %get3A : i32 to index
    %get3A_6 = arith.constant 0 : index
    %get3A_7 = tpu.vector_load %arg13[%get3A_5, %get3A_6] {strides = array<i32>} : memref<3x16xf32, #tpu.memory_space<vmem>>, vector<16xf32>,
    %get3A_8 = arith.constant 1 : i32
    %get3A_9 = arith.index_cast %get3A_8 : i32 to index
    %get3A_10 = arith.constant 0 : index
    %get3A_11 = tpu.vector_load %arg13[%get3A_9, %get3A_10] {strides = array<i32>} : memref<3x16xf32, #tpu.memory_space<vmem>>, vector<16xf32>,
    %get3A_12 = arith.constant 2 : i32
    %get3A_13 = arith.index_cast %get3A_12 : i32 to index
    %get3A_14 = arith.constant 0 : index
    %get3A_15 = tpu.vector_load %arg13[%get3A_13, %get3A_14] {strides = array<i32>} : memref<3x16xf32, #tpu.memory_space<vmem>>, vector<16xf32>,
    %mul3A_16 = arith.mulf %get3A_7, %get3A_15 : vector<16xf32>
    %iota3A = tpu.iota {dimensions = array<i32: 0>} : vector<16xi32>
    %broadcast_in_dim3A = arith.constant 254 : i32
    %broadcast_in_dim3A_17 = vector.broadcast %broadcast_in_dim3A : i32 to vector<16xi32>
    %broadcast_in_dim3A_18 = arith.constant 0 : i32
    %broadcast_in_dim3A_19 = vector.broadcast %broadcast_in_dim3A_18 : i32 to vector<16xi32>
    %dma_start3A = arith.constant 0 : i32
    %dma_start3A_20 = tpu.memref_slice %arg2[%dma_start3A, %mul3A_2] : memref<4096x4096xf32, #tpu.memory_space<hbm>> -> memref<128x128xf32, #tpu.memory_space<hbm>>
    %dma_start3A_21 = arith.constant 0 : i32
    %dma_start3A_22 = tpu.memref_slice %arg2[%dma_start3A_21, %mul3A_2] : memref<4096x4096xf32, #tpu.memory_space<hbm>> -> memref<128x128xf32, #tpu.memory_space<hbm>>
    tpu.enqueue_dma source(%dma_start3A_22 : memref<128x128xf32, #tpu.memory_space<hbm>>) target(%arg8 : memref<128x128xf32, #tpu.memory_space<vmem>>) target_semaphore(%arg16 : memref<!tpu.dma_semaphore, #tpu.memory_space<semaphore_mem>>)
    %scan3A = arith.constant 0 : i32
    %scan3A_23 = arith.constant 0 : i32
    %scan3A_24 = arith.constant 16 : i32
    %scan3A_25 = arith.addi %scan3A_23, %scan3A_24 : i32
    %scan3A_26 = arith.constant 1 : i32
    %scan3A_27 = scf.for %scan3A_48 = %scan3A_23 to %scan3A_25 step %scan3A_26 iter_args(%scan3A_49 = %scan3A) -> (i32)  : i32 {
      %mul3A_50 = arith.constant 2 : i32
      %mul3A_51 = arith.muli %mul3A_50, %scan3A_48 : i32
      %add3A_52 = arith.constant 1 : i32
      %add3A_53 = arith.addi %mul3A_51, %add3A_52 : i32
      %mul3A_54 = arith.constant 128 : i32
      %mul3A_55 = arith.muli %add3A_53, %mul3A_54 : i32
      %dma_start3A_56 = tpu.memref_slice %arg2[%mul3A_55, %mul3A_2] : memref<4096x4096xf32, #tpu.memory_space<hbm>> -> memref<128x128xf32, #tpu.memory_space<hbm>>
      %dma_start3A_57 = tpu.memref_slice %arg2[%mul3A_55, %mul3A_2] : memref<4096x4096xf32, #tpu.memory_space<hbm>> -> memref<128x128xf32, #tpu.memory_space<hbm>>
      tpu.enqueue_dma source(%dma_start3A_57 : memref<128x128xf32, #tpu.memory_space<hbm>>) target(%arg9 : memref<128x128xf32, #tpu.memory_space<vmem>>) target_semaphore(%arg17 : memref<!tpu.dma_semaphore, #tpu.memory_space<semaphore_mem>>)
      %mul3A_58 = arith.constant 128 : i32
      %mul3A_59 = arith.muli %mul3A_51, %mul3A_58 : i32
      %dma_wait3A_60 = tpu.memref_slice %arg2[%mul3A_59, %mul3A_2] : memref<4096x4096xf32, #tpu.memory_space<hbm>> -> memref<128x128xf32, #tpu.memory_space<hbm>>
      %dma_wait3A_61 = tpu.memref_slice %arg2[%mul3A_59, %mul3A_2] : memref<4096x4096xf32, #tpu.memory_space<hbm>> -> memref<128x128xf32, #tpu.memory_space<hbm>>
      tpu.wait_dma2 semaphore(%arg16 : memref<!tpu.dma_semaphore, #tpu.memory_space<semaphore_mem>>) src(%dma_wait3A_61 : memref<128x128xf32, #tpu.memory_space<hbm>>) dst(%arg8 : memref<128x128xf32, #tpu.memory_space<vmem>>)
      %gt3A = arith.constant 0 : i32
      %gt3A_62 = arith.cmpi sgt, %scan3A_48, %gt3A : i32
      %convert_element_type3A = arith.extui %gt3A_62 : i1 to i32
      %cond3A = arith.constant 0 : i32
      %cond3A_63 = arith.cmpi ne, %convert_element_type3A, %cond3A : i32
      scf.if %cond3A_63 {
        %sub3A = arith.constant 2 : i32
        %sub3A_98 = arith.subi %mul3A_51, %sub3A : i32
        %mul3A_99 = arith.constant 128 : i32
        %mul3A_100 = arith.muli %sub3A_98, %mul3A_99 : i32
        %dma_wait3A_101 = arith.constant 0 : i32
        %dma_wait3A_102 = arith.constant 0 : i32
        %dma_wait3A_103 = tpu.memref_slice %arg14[%dma_wait3A_101, %dma_wait3A_102] : memref<128x129xf32, #tpu.memory_space<vmem>> -> memref<128x128xf32, #tpu.memory_space<vmem>>
        %dma_wait3A_104 = tpu.memref_slice %arg7[%mul3A_2, %mul3A_100] : memref<4096x4096xf32, #tpu.memory_space<hbm>> -> memref<128x128xf32, #tpu.memory_space<hbm>>
        %dma_wait3A_105 = tpu.memref_slice %arg7[%mul3A_2, %mul3A_100] : memref<4096x4096xf32, #tpu.memory_space<hbm>> -> memref<128x128xf32, #tpu.memory_space<hbm>>
        %dma_wait3A_106 = arith.constant 0 : i32
        %dma_wait3A_107 = arith.constant 0 : i32
        %dma_wait3A_108 = tpu.memref_slice %arg14[%dma_wait3A_106, %dma_wait3A_107] : memref<128x129xf32, #tpu.memory_space<vmem>> -> memref<128x128xf32, #tpu.memory_space<vmem>>
        tpu.wait_dma2 semaphore(%arg18 : memref<!tpu.dma_semaphore, #tpu.memory_space<semaphore_mem>>) src(%dma_wait3A_108 : memref<128x128xf32, #tpu.memory_space<vmem>>) dst(%dma_wait3A_105 : memref<128x128xf32, #tpu.memory_space<hbm>>)
      } else {
      }
      %mul3A_64 = arith.constant 128 : i32
      %mul3A_65 = arith.muli %mul3A_51, %mul3A_64 : i32
      %dma_start3A_66 = arith.constant 0 : i32
      %dma_start3A_67 = arith.constant 0 : i32
      %dma_start3A_68 = tpu.memref_slice %arg14[%dma_start3A_66, %dma_start3A_67] : memref<128x129xf32, #tpu.memory_space<vmem>> -> memref<128x128xf32, #tpu.memory_space<vmem>>
      %dma_start3A_69 = tpu.memref_slice %arg7[%mul3A_2, %mul3A_65] : memref<4096x4096xf32, #tpu.memory_space<hbm>> -> memref<128x128xf32, #tpu.memory_space<hbm>>
      %dma_start3A_70 = tpu.memref_slice %arg7[%mul3A_2, %mul3A_65] : memref<4096x4096xf32, #tpu.memory_space<hbm>> -> memref<128x128xf32, #tpu.memory_space<hbm>>
      %dma_start3A_71 = arith.constant 0 : i32
      %dma_start3A_72 = arith.constant 0 : i32
      %dma_start3A_73 = tpu.memref_slice %arg14[%dma_start3A_71, %dma_start3A_72] : memref<128x129xf32, #tpu.memory_space<vmem>> -> memref<128x128xf32, #tpu.memory_space<vmem>>
      tpu.enqueue_dma source(%dma_start3A_73 : memref<128x128xf32, #tpu.memory_space<vmem>>) target(%dma_start3A_70 : memref<128x128xf32, #tpu.memory_space<hbm>>) target_semaphore(%arg18 : memref<!tpu.dma_semaphore, #tpu.memory_space<semaphore_mem>>)
      %lt3A = arith.constant 15 : i32
      %lt3A_74 = arith.cmpi slt, %scan3A_48, %lt3A : i32
      %convert_element_type3A_75 = arith.extui %lt3A_74 : i1 to i32
      %cond3A_76 = arith.constant 0 : i32
      %cond3A_77 = arith.cmpi ne, %convert_element_type3A_75, %cond3A_76 : i32
      scf.if %cond3A_77 {
        %add3A_98 = arith.constant 2 : i32
        %add3A_99 = arith.addi %mul3A_51, %add3A_98 : i32
        %mul3A_100 = arith.constant 128 : i32
        %mul3A_101 = arith.muli %add3A_99, %mul3A_100 : i32
        %dma_start3A_102 = tpu.memref_slice %arg2[%mul3A_101, %mul3A_2] : memref<4096x4096xf32, #tpu.memory_space<hbm>> -> memref<128x128xf32, #tpu.memory_space<hbm>>
        %dma_start3A_103 = tpu.memref_slice %arg2[%mul3A_101, %mul3A_2] : memref<4096x4096xf32, #tpu.memory_space<hbm>> -> memref<128x128xf32, #tpu.memory_space<hbm>>
        tpu.enqueue_dma source(%dma_start3A_103 : memref<128x128xf32, #tpu.memory_space<hbm>>) target(%arg8 : memref<128x128xf32, #tpu.memory_space<vmem>>) target_semaphore(%arg16 : memref<!tpu.dma_semaphore, #tpu.memory_space<semaphore_mem>>)
      } else {
      }
      %mul3A_78 = arith.constant 128 : i32
      %mul3A_79 = arith.muli %add3A_53, %mul3A_78 : i32
      %dma_wait3A_80 = tpu.memref_slice %arg2[%mul3A_79, %mul3A_2] : memref<4096x4096xf32, #tpu.memory_space<hbm>> -> memref<128x128xf32, #tpu.memory_space<hbm>>
      %dma_wait3A_81 = tpu.memref_slice %arg2[%mul3A_79, %mul3A_2] : memref<4096x4096xf32, #tpu.memory_space<hbm>> -> memref<128x128xf32, #tpu.memory_space<hbm>>
      tpu.wait_dma2 semaphore(%arg17 : memref<!tpu.dma_semaphore, #tpu.memory_space<semaphore_mem>>) src(%dma_wait3A_81 : memref<128x128xf32, #tpu.memory_space<hbm>>) dst(%arg9 : memref<128x128xf32, #tpu.memory_space<vmem>>)
      %gt3A_82 = arith.constant 0 : i32
      %gt3A_83 = arith.cmpi sgt, %scan3A_48, %gt3A_82 : i32
      %convert_element_type3A_84 = arith.extui %gt3A_83 : i1 to i32
      %cond3A_85 = arith.constant 0 : i32
      %cond3A_86 = arith.cmpi ne, %convert_element_type3A_84, %cond3A_85 : i32
      scf.if %cond3A_86 {
        %sub3A = arith.constant 2 : i32
        %sub3A_98 = arith.subi %add3A_53, %sub3A : i32
        %mul3A_99 = arith.constant 128 : i32
        %mul3A_100 = arith.muli %sub3A_98, %mul3A_99 : i32
        %dma_wait3A_101 = arith.constant 0 : i32
        %dma_wait3A_102 = arith.constant 0 : i32
        %dma_wait3A_103 = tpu.memref_slice %arg15[%dma_wait3A_101, %dma_wait3A_102] : memref<128x129xf32, #tpu.memory_space<vmem>> -> memref<128x128xf32, #tpu.memory_space<vmem>>
        %dma_wait3A_104 = tpu.memref_slice %arg7[%mul3A_2, %mul3A_100] : memref<4096x4096xf32, #tpu.memory_space<hbm>> -> memref<128x128xf32, #tpu.memory_space<hbm>>
        %dma_wait3A_105 = tpu.memref_slice %arg7[%mul3A_2, %mul3A_100] : memref<4096x4096xf32, #tpu.memory_space<hbm>> -> memref<128x128xf32, #tpu.memory_space<hbm>>
        %dma_wait3A_106 = arith.constant 0 : i32
        %dma_wait3A_107 = arith.constant 0 : i32
        %dma_wait3A_108 = tpu.memref_slice %arg15[%dma_wait3A_106, %dma_wait3A_107] : memref<128x129xf32, #tpu.memory_space<vmem>> -> memref<128x128xf32, #tpu.memory_space<vmem>>
        tpu.wait_dma2 semaphore(%arg19 : memref<!tpu.dma_semaphore, #tpu.memory_space<semaphore_mem>>) src(%dma_wait3A_108 : memref<128x128xf32, #tpu.memory_space<vmem>>) dst(%dma_wait3A_105 : memref<128x128xf32, #tpu.memory_space<hbm>>)
      } else {
      }
      %mul3A_87 = arith.constant 128 : i32
      %mul3A_88 = arith.muli %add3A_53, %mul3A_87 : i32
      %dma_start3A_89 = arith.constant 0 : i32
      %dma_start3A_90 = arith.constant 0 : i32
      %dma_start3A_91 = tpu.memref_slice %arg15[%dma_start3A_89, %dma_start3A_90] : memref<128x129xf32, #tpu.memory_space<vmem>> -> memref<128x128xf32, #tpu.memory_space<vmem>>
      %dma_start3A_92 = tpu.memref_slice %arg7[%mul3A_2, %mul3A_88] : memref<4096x4096xf32, #tpu.memory_space<hbm>> -> memref<128x128xf32, #tpu.memory_space<hbm>>
      %dma_start3A_93 = tpu.memref_slice %arg7[%mul3A_2, %mul3A_88] : memref<4096x4096xf32, #tpu.memory_space<hbm>> -> memref<128x128xf32, #tpu.memory_space<hbm>>
      %dma_start3A_94 = arith.constant 0 : i32
      %dma_start3A_95 = arith.constant 0 : i32
      %dma_start3A_96 = tpu.memref_slice %arg15[%dma_start3A_94, %dma_start3A_95] : memref<128x129xf32, #tpu.memory_space<vmem>> -> memref<128x128xf32, #tpu.memory_space<vmem>>
      tpu.enqueue_dma source(%dma_start3A_96 : memref<128x128xf32, #tpu.memory_space<vmem>>) target(%dma_start3A_93 : memref<128x128xf32, #tpu.memory_space<hbm>>) target_semaphore(%arg19 : memref<!tpu.dma_semaphore, #tpu.memory_space<semaphore_mem>>)
      %scan3A_97 = arith.constant 0 : i32
      scf.yield %scan3A_97 : i32
    }
    %scan3A_28 = arith.constant 16 : i32
    %dma_wait3A = arith.constant 0 : i32
    %dma_wait3A_29 = arith.constant 0 : i32
    %dma_wait3A_30 = tpu.memref_slice %arg14[%dma_wait3A, %dma_wait3A_29] : memref<128x129xf32, #tpu.memory_space<vmem>> -> memref<128x128xf32, #tpu.memory_space<vmem>>
    %dma_wait3A_31 = arith.constant 3840 : i32
    %dma_wait3A_32 = tpu.memref_slice %arg7[%mul3A_2, %dma_wait3A_31] : memref<4096x4096xf32, #tpu.memory_space<hbm>> -> memref<128x128xf32, #tpu.memory_space<hbm>>
    %dma_wait3A_33 = arith.constant 3840 : i32
    %dma_wait3A_34 = tpu.memref_slice %arg7[%mul3A_2, %dma_wait3A_33] : memref<4096x4096xf32, #tpu.memory_space<hbm>> -> memref<128x128xf32, #tpu.memory_space<hbm>>
    %dma_wait3A_35 = arith.constant 0 : i32
    %dma_wait3A_36 = arith.constant 0 : i32
    %dma_wait3A_37 = tpu.memref_slice %arg14[%dma_wait3A_35, %dma_wait3A_36] : memref<128x129xf32, #tpu.memory_space<vmem>> -> memref<128x128xf32, #tpu.memory_space<vmem>>
    tpu.wait_dma2 semaphore(%arg18 : memref<!tpu.dma_semaphore, #tpu.memory_space<semaphore_mem>>) src(%dma_wait3A_37 : memref<128x128xf32, #tpu.memory_space<vmem>>) dst(%dma_wait3A_34 : memref<128x128xf32, #tpu.memory_space<hbm>>)
    %dma_wait3A_38 = arith.constant 0 : i32
    %dma_wait3A_39 = arith.constant 0 : i32
    %dma_wait3A_40 = tpu.memref_slice %arg15[%dma_wait3A_38, %dma_wait3A_39] : memref<128x129xf32, #tpu.memory_space<vmem>> -> memref<128x128xf32, #tpu.memory_space<vmem>>
    %dma_wait3A_41 = arith.constant 3968 : i32
    %dma_wait3A_42 = tpu.memref_slice %arg7[%mul3A_2, %dma_wait3A_41] : memref<4096x4096xf32, #tpu.memory_space<hbm>> -> memref<128x128xf32, #tpu.memory_space<hbm>>
    %dma_wait3A_43 = arith.constant 3968 : i32
    %dma_wait3A_44 = tpu.memref_slice %arg7[%mul3A_2, %dma_wait3A_43] : memref<4096x4096xf32, #tpu.memory_space<hbm>> -> memref<128x128xf32, #tpu.memory_space<hbm>>
    %dma_wait3A_45 = arith.constant 0 : i32
    %dma_wait3A_46 = arith.constant 0 : i32
    %dma_wait3A_47 = tpu.memref_slice %arg15[%dma_wait3A_45, %dma_wait3A_46] : memref<128x129xf32, #tpu.memory_space<vmem>> -> memref<128x128xf32, #tpu.memory_space<vmem>>
    tpu.wait_dma2 semaphore(%arg19 : memref<!tpu.dma_semaphore, #tpu.memory_space<semaphore_mem>>) src(%dma_wait3A_47 : memref<128x128xf32, #tpu.memory_space<vmem>>) dst(%dma_wait3A_44 : memref<128x128xf32, #tpu.memory_space<hbm>>)
    return
  }
}

</mosaic_0001>

<sc_bundles>
// kernel: kernel.3.cloned.1.call-start
scs
__scs_entry_jumppad:
0x0: {  	(pc) =	sbr.rel $0x88, $3  }
0x1: {  	(tag) =	ssettag $0x0;
	lr =	simm.s32 $0x1  }
0x2: {  	[smem:$0x3F9D] =	sst lr;
	_ =	strace $0xD0000000  }
0x3: {  	_ = 	snop  }
0x4: {  	_ = 	snop  }
0x5: {  	_ = 	snop  }
0x6: {  	_ = 	snop  }
0x7: {  	_ = 	snop  }
__scs_overlays_trampoline_lowered:
0x8: {  	[smem:$0x3FAC] =	sst s0  }
0x9: {  	[smem:$0x3FAD] =	sst s1  }
0xa: {  	[smem:$0x3FAE] =	sst s2  }
0xb: {  	[smem:$0x3FAF] =	sst s3  }
0xc: {  	[smem:$0x3FB0] =	sst s4  }
0xd: {  	[smem:$0x3FB1] =	sst s5  }
0xe: {  	[smem:$0x3FB2] =	sst s6  }
0xf: {  	[smem:$0x3FB3] =	sst s7  }
0x10: {  	[smem:$0x3FB4] =	sst s8  }
0x11: {  	[smem:$0x3FB5] =	sst s9;
	s0 =	simm.s32 @!p0 $0x0  }
0x12: {  	s1 =	sld [smem:$0x3F9B];
	s0 =	simm.s32 @p0 $0x1  }
0x13: {  	[smem:$0x3FB6] =	sst s0;
	s0 =	simm.s32 @!p1 $0x0  }
0x14: {  	s2 =	sld [smem:$0x3F9A];
	s0 =	simm.s32 @p1 $0x1  }
0x15: {  	[smem:$0x3FB7] =	sst s0;
	s0 =	simm.s32 @!p2 $0x0  }
0x16: {  	s3 =	sld [smem:$0x3FDB];
	s0 =	simm.s32 @p2 $0x1  }
0x17: {  	s4 =	simm.s32 $0x1BF5;
	[smem:$0x3FB9] =	sst s0  }
0x18: {  	s0 =	sld [smem:$0x3F9C];
	_ =	swait.ge [sflag:s4], $0x0  }
0x19: {  	s7 =	sld [smem:$0x3F9D]  }
0x1a: {  	s8 =	sadd.s32 $0xFFFFE003, lr  }
0x1b: {  	s9 =	sadd.s32 $0xFFFFFEF7, lr;
	s5 =	simm.s32 $0xFFFFFFFF;
	p2 =	slt.u32 s8, $0xFFFFF086  }
0x1c: {  	p1 =	slt.u32 s9, $0xF7A;
	s5 =	simm.s32 @!p2 $0x0  }
0x1d: {  	s5 =	simm.s32 @p1 $0x1;
	p0 =	seq.s32 s7, s2  }
0x1e: {  	s7 =	smul.u32 @!p0 $0xF7A, s2;
	p2 =	seq.s32 @!p0 s5, $0x0  }
0x1f: {  	s9 =	smul.u32 $0xF7A, s1;
	s8 =	simm.s32 @!p0 $0x1BF5;
	p2 =	por !p2, p0  }
0x20: {  	[sflag:s8] =	ssyncset.s32 @!p0 $0xFFFFF086;
	s6 =	sadd.s32 @!p0 s3, s7;
	s7 =	simm.s32 @!p0 $0x108  }
0x21: {  	s3 =	sadd.s32 s3, s9;
	s6 =	sadd.s32 @!p0 $0x88, s6;
	s7 =	simm.s32 @p2 $0x1082  }
0x22: {  	[simem:s7], [sflag:s8] =	dma.local @!p0 [hbm:s6], $0xF7A  }
0x23: {  	s9 =	sor.u32 $0xD0000000, s2;
	s6 =	simm.s32 $0x108;
	_ =	swait.ge @!p0 [sflag:s8], $0x0  }
0x24: {  	s3 =	sadd.s32 $0x88, s3;
	s6 =	simm.s32 @!p1 $0x1082;
	[sflag:s4] =	ssyncset.s32 $0xFFFFF086  }
0x25: {  	[simem:s6], [sflag:s4] =	dma.local [hbm:s3], $0xF7A  }
0x26: {  	[smem:$0x3F9D] =	sst s1;
	(tag) =	ssettag s2;
	_ =	strace s9  }
0x27: {  	s1 =	sld [smem:$0x3FAD]  }
0x28: {  	s2 =	sld [smem:$0x3FAE]  }
0x29: {  	s4 =	sld [smem:$0x3FB0]  }
0x2a: {  	p0 =	seq.s32 s5, $0x0;
	s5 =	sld [smem:$0x3FB1]  }
0x2b: {  	s6 =	sld [smem:$0x3FB2]  }
0x2c: {  	s7 =	sld [smem:$0x3FB3]  }
0x2d: {  	s3 =	simm.s32 $0x108;
	s8 =	sld [smem:$0x3FB4]  }
0x2e: {  	s3 =	simm.s32 @!p0 $0x1082;
	s9 =	sld [smem:$0x3FB5]  }
0x2f: {  	lr =	sadd.s32 s0, s3;
	s0 =	sld [smem:$0x3FAC]  }
0x30: {  	s3 =	sld [smem:$0x3FAF]  }
0x31: {  	[smem:$0x3FB8] =	sst s10  }
0x32: {  	s10 =	sld [smem:$0x3FB6];
	_ =	sdelay $0x3  }
0x33: {  	p0 =	seq.s32 s10, $0x1;
	s10 =	sld [smem:$0x3FB8];
	_ =	sdelay $0x3  }
0x34: {  	[smem:$0x3FB8] =	sst s10  }
0x35: {  	s10 =	sld [smem:$0x3FB7];
	_ =	sdelay $0x3  }
0x36: {  	p1 =	seq.s32 s10, $0x1;
	s10 =	sld [smem:$0x3FB8];
	_ =	sdelay $0x3  }
0x37: {  	[smem:$0x3FB8] =	sst s10  }
0x38: {  	s10 =	sld [smem:$0x3FB9]  }
0x39: {  	_ = 	snop;
	(pc) =	sbr.ind lr, $3  }
0x3a: {  	_ = 	snop  }
0x3b: {  	_ = 	snop  }
0x3c: {  	p2 =	seq.s32 s10, $0x1;
	s10 =	sld [smem:$0x3FB8]  }
0x3d: {  	_ =	shalt  }
0x3e: {  	_ =	shalt  }
0x3f: {  	_ =	shalt  }
0x40: {  	_ =	shalt  }
0x41: {  	_ =	shalt  }
0x42: {  	_ =	shalt  }
0x43: {  	_ =	shalt  }
0x44: {  	_ =	shalt  }
0x45: {  	_ =	shalt  }
0x46: {  	_ =	shalt  }
0x47: {  	_ =	shalt  }
0x48: {  	_ =	shalt  }
0x49: {  	_ =	shalt  }
0x4a: {  	_ =	shalt  }
0x4b: {  	_ =	shalt  }
0x4c: {  	_ =	shalt  }
0x4d: {  	_ =	shalt  }
0x4e: {  	_ =	shalt  }
0x4f: {  	_ =	shalt  }
0x50: {  	_ =	shalt  }
0x51: {  	_ =	shalt  }
0x52: {  	_ =	shalt  }
0x53: {  	_ =	shalt  }
0x54: {  	_ =	shalt  }
0x55: {  	_ =	shalt  }
0x56: {  	_ =	shalt  }
0x57: {  	_ =	shalt  }
0x58: {  	_ =	shalt  }
0x59: {  	_ =	shalt  }
0x5a: {  	_ =	shalt  }
0x5b: {  	_ =	shalt  }
0x5c: {  	_ =	shalt  }
0x5d: {  	_ =	shalt  }
0x5e: {  	_ =	shalt  }
0x5f: {  	_ =	shalt  }
0x60: {  	_ =	shalt  }
0x61: {  	_ =	shalt  }
0x62: {  	_ =	shalt  }
0x63: {  	_ =	shalt  }
0x64: {  	_ =	shalt  }
0x65: {  	_ =	shalt  }
0x66: {  	_ =	shalt  }
0x67: {  	_ =	shalt  }
0x68: {  	_ =	shalt  }
0x69: {  	_ =	shalt  }
0x6a: {  	_ =	shalt  }
0x6b: {  	_ =	shalt  }
0x6c: {  	_ =	shalt  }
0x6d: {  	_ =	shalt  }
0x6e: {  	_ =	shalt  }
0x6f: {  	_ =	shalt  }
0x70: {  	_ =	shalt  }
0x71: {  	_ =	shalt  }
0x72: {  	_ =	shalt  }
0x73: {  	_ =	shalt  }
0x74: {  	_ =	shalt  }
0x75: {  	_ =	shalt  }
0x76: {  	_ =	shalt  }
0x77: {  	_ =	shalt  }
0x78: {  	_ =	shalt  }
0x79: {  	_ =	shalt  }
0x7a: {  	_ =	shalt  }
0x7b: {  	_ =	shalt  }
0x7c: {  	_ =	shalt  }
0x7d: {  	_ =	shalt  }
0x7e: {  	_ =	shalt  }
0x7f: {  	_ =	shalt  }
0x80: {  	_ =	shalt  }
0x81: {  	_ =	shalt  }
0x82: {  	_ =	shalt  }
0x83: {  	_ =	shalt  }
0x84: {  	_ =	shalt  }
0x85: {  	_ =	shalt  }
0x86: {  	_ =	shalt  }
0x87: {  	_ =	shalt  }
.Lfunc_end0:
.L_simem_size_0:
called_computation_lowered:
.L_overlay_start_0:
0x88: {  	s2 =	sld [smem:$0x3FD9]  }
0x89: {  	s3 =	sld [smem:$0x3FFE];
	_ =	sdelay $0x1  }
0x8a: {  	s1 =	srdreg.scid  }
0x8b: {  	s0 =	sand.u32 $0x1, s1  }
0x8c: {  	s17 =	sshll.u32 s0, $0xA;
	s2 =	sadd.s32 s3, s2  }
0x8d: {  	s2 =	sadd.s32 s2, s17  }
0x8e: {  	[smem:$0x3FC4] =	sst s2  }
0x8f: {  	_ = 	snop  }
0x90: {  	s2 =	sld [smem:$0x3FC9]  }
0x91: {  	s18 =	sld [smem:$0x3FC8]  }
0x92: {  	s4 =	sld [smem:$0x3FC7]  }
0x93: {  	s5 =	sld [smem:$0x3FD0];
	(tm) =	ssettm $0x1  }
0x94: {  	s6 =	sld [smem:$0x3FFB];
	_ =	sdelay $0x3  }
0x95: {  	_ =	strace s6  }
0x96: {  	s6 =	sld [smem:$0x3FFC];
	_ =	sdelay $0x3  }
0x97: {  	_ =	strace s6  }
0x98: {  	s6 =	sld [smem:$0x3FFD];
	_ =	sdelay $0x3  }
0x99: {  	_ =	strace s6  }
0x9a: {  	_ =	strace $0x8FFFFFFF  }
0x9b: {  	s19 =	sld [smem:$0x3FDB];
	_ =	sdelay $0x1  }
0x9c: {  	s7 =	simm.s32 $_scs_section_size  }
0x9d: {  	s8 =	simm.s32 $_size__tile_overlayer_lowered;
	s9 =	simm.s32 $_tile_overlayer_lowered  }
0x9e: {  	s22 =	simm.s32 $0x1BFF;
	s21 =	sshll.u32 s9, $0x1;
	s6 =	sadd.s32 s7, s19  }
0x9f: {  	s10 =	simm.s32 $0x0;
	s20 =	sshll.u32 s8, $0x1;
	s8 =	sadd.s32 s21, s6  }
0xa0: {  	[timem:s10], [sflag:s22] =	dma.local [hbm:s8], s20  }
0xa1: {  	_ =	swait.ge [sflag:s22], s20  }
0xa2: {  	s7 =	ssub.s32 $0x0, s20;
	[sflag:s22] =	ssyncset.done $0x0  }
0xa3: {  	[sflag:s22] =	ssyncadd.s32 s7;
	_ =	sdelay $0x1  }
0xa4: {  	s23 =	simm.s32 $0x1B8B  }
0xa5: {  	_ =	swait.ge [sflag:s23], $0x1  }
0xa6: {  	[sflag:s23] =	ssyncset.done $0x0  }
0xa7: {  	s25 =	simm.s32 $0x1B8E;
	s24 =	sld [smem:$0x3FFE];
	[sflag:s23] =	ssyncadd.s32 $0xFFFFFFFF  }
0xa8: {  	s26 =	simm.s32 $execute0_lowered;
	[smem:$0x3FD2] =	sst s25  }
0xa9: {  	s8 =	sshll.u32 s26, $0x1;
	_ =	strace $0x80000046;
	[dreg:$0x1] =	wrdreg $0xFFFFFFFF  }
0xaa: {  	s28 =	simm.s32 $_size_execute0_lowered;
	s6 =	sadd.s32 s6, s8;
	[dreg:$0x0] =	wrdreg $0x0  }
0xab: {  	s8 =	sshll.u32 s28, $0x1;
	[dreg:$0x2] =	wrdreg s6  }
0xac: {  	[dreg:$0x3] =	wrdreg s8  }
0xad: {  	[dreg:$0x4] =	wrdreg $0xC0  }
0xae: {  	_ =	task [dreg:s10], $0x5FFFF  }
0xaf: {  	[dreg:$0x1] =	wrdreg $0xFFFFFFFF  }
0xb0: {  	[dreg:$0x0] =	wrdreg $0x60  }
0xb1: {  	[dreg:$0x2] =	wrdreg s2  }
0xb2: {  	[dreg:$0x3] =	wrdreg s18  }
0xb3: {  	[dreg:$0x4] =	wrdreg s4  }
0xb4: {  	[dreg:$0x5] =	wrdreg s24  }
0xb5: {  	[dreg:$0x6] =	wrdreg s5  }
0xb6: {  	[dreg:$0x7] =	wrdreg $0x9  }
0xb7: {  	_ =	task.clear_ibuf [dreg:s10], $0x8FFFF;
	_ =	strace $0x90000046  }
0xb8: {  	s29 =	simm.s32 $0x9;
	_ =	strace $0x80000048  }
0xb9: {  	_ =	swait.ge [sflag:s29], $0x1  }
0xba: {  	[sflag:s29] =	ssyncadd.s32 $0xFFFFFFFF  }
0xbb: {  	_ =	strace $0x90000048  }
0xbc: {  	_ =	sfence  }
0xbd: {  	s30 =	sld [smem:$0x0];
	_ =	sdelay $0x2  }
0xbe: {  	s31 =	sshll.u32 s1, $0xD;
	s1 =	sshrl.u32 s1, $0x2  }
0xbf: {  	s3 =	sand.u32 $0x4000, s31;
	s1 =	sadd.s32 s1, s30  }
0xc0: {  	s0 =	sor.u32 s3, s0;
	s1 =	sshll.u32 s1, $0x11  }
0xc1: {  	s0 =	sor.u32 s1, s0  }
0xc2: {  	s0 =	sadd.s32 $0x8F2B, s0  }
0xc3: {  	[sflag:s0] =	ssyncadd.remote.s32 $0x1  }
0xc4: {  	_ =	sfence.sel $0xFFFF  }
0xc5: {  	[dreg:$0x0] =	wrdreg $0xFFFFFFFF;
	(pc) =	sbr.abs _section_cstart, $3  }
0xc6: {  	[dreg:$0x1] =	wrdreg $0xFFFFFFFF  }
0xc7: {  	_ =	task.clear_ibuf [dreg:s10], $0x2FFFF;
	_ =	strace $0x9FFFFFFF  }
0xc8: {  	(tm) =	ssettm $0x7FFFFFFF  }
0xc9: {  	_ =	shalt  }
tec
execute0_lowered:
.L_overlay_start_1:
0x0: {  	(tag) =	ssettag $0x1  }
0x1: {  	s1 =	rddreg [dreg:$0x0]  }
0x2: {  	s0 =	rddreg [dreg:$0x1]  }
0x3: {  	s2 =	rddreg [dreg:$0x3]  }
0x4: {  	s3 =	rddreg [dreg:$0x4]  }
0x5: {  	s4 =	simm.s32 $0x0;
	s5 =	srdreg.scid;
	s7 =	stileid.u32  }
0x6: {  	s15 =	simm.s32 $0x5;
	s16 =	simm.s32 $0x10000;
	s17 =	simm.s32 $0x11000  }
0x7: {  	s18 =	simm.s32 $0x12000;
	s19 =	simm.s32 $0x80;
	s20 =	simm.s32 $0x1000  }
0x8: {  	s21 =	simm.s32 $0x4000;
	s22 =	simm.s32 $0x1;
	s23 =	simm.s32 $0x2  }
0x9: {  	s24 =	simm.s32 $0x4;
	s25 =	simm.s32 $0x3;
	s26 =	simm.s32 $0x0  }
0xa: {  	[smem:$0x7FF] =	sst s4;
	s5 =	sand.u32 $0x1, s5;
	s6 =	sadd.s32 $0x600, s2  }
0xb: {  	s10 =	sshll.u32 s7, $0x1;
	s7 =	sadd.s32 $0x400, s2;
	s8 =	ssub.s32 $0x2, s5  }
0xc: {  	_ =	strace $0x80000047;
	s5 =	sor.u32 s5, s10;
	s9 =	sshrl.u32 s8, $0x1  }
0xd: {  	s31 =	sshll.u32 s5, $0xC;
	s10 =	sshll.u32 s5, $0x4;
	s12 =	sshll.u32 s5, $0x13  }
0xe: {  	s30 =	ssub.s32 s8, s9;
	s8 =	sshll.u32 s5, $0x7;
	s9 =	sadd.s32 s0, s31  }
0xf: {  	s10 =	sadd.s32 s1, s10;
	s11 =	sor.u32 $0x100000, s8;
	s13 =	smax.u32 s30, $0x1  }
.LBB2_1:
0x10: {  	s0 =	simm.s32 $0x8000  }
0x11: {  	[tilespmem:s0], [sflag:$0x5] =	stream.linear.gather [hbm4b:s9+s4], $0x8000, $0x38;
	[tilespmem:$0x1A830] =	vst v63  }
0x12: {  	_ =	swait.ge [sflag:s15], $0x8000  }
0x13: {  	[sflag:s15] =	ssyncset.done $0x0  }
0x14: {  	[sflag:s15] =	ssyncadd.s32 $0xFFFF8000  }
0x15: {  	s31 =	rddreg [dreg:$0x2]  }
0x16: {  	[tilespmem:s16], [sflag:$0x5] =	stream.linear.gather [hbm4b:s31+s4], $0x1000, $0x38;
	[tilespmem:$0x1A830] =	vst v63  }
0x17: {  	_ =	swait.ge [sflag:s15], $0x1000  }
0x18: {  	[sflag:s15] =	ssyncset.done $0x0  }
0x19: {  	[sflag:s15] =	ssyncadd.s32 $0xFFFFF000  }
0x1a: {  	[tilespmem:s17], [sflag:$0x5] =	stream.linear.gather [hbm4b:s6+s4], $0x1000, $0x38;
	[tilespmem:$0x1A830] =	vst v63  }
0x1b: {  	_ =	swait.ge [sflag:s15], $0x1000  }
0x1c: {  	[sflag:s15] =	ssyncset.done $0x0  }
0x1d: {  	[sflag:s15] =	ssyncadd.s32 $0xFFFFF000  }
0x1e: {  	[tilespmem:s18], [sflag:$0x5] =	stream.linear.gather [hbm4b:s7+s4], $0x30, $0x38;
	[tilespmem:$0x1A830] =	vst v63  }
0x1f: {  	_ =	swait.ge [sflag:s15], $0x30  }
0x20: {  	[sflag:s15] =	ssyncset.done $0x0  }
0x21: {  	s28 =	simm.s32 $0x0;
	[sflag:s15] =	ssyncadd.s32 $0xFFFFFFD0  }
0x22: {  	[tilespmem:s4], [sflag:$0x1] =	stream.strided.gather [hbm4b:s10+s19], $0x4000, s20, s19, $0x38;
	[tilespmem:$0x1A830] =	vst v63  }
.LBB2_2:
0x23: {  	s0 =	sshll.u32 s28, $0x8  }
0x24: {  	s29 =	sor.u32 $0x80, s0  }
0x25: {  	s2 =	sshll.u32 s29, $0xC  }
0x26: {  	s2 =	sor.u32 s8, s2  }
0x27: {  	s2 =	sshrl.u32 s2, $0x3  }
0x28: {  	s2 =	sadd.s32 s1, s2  }
0x29: {  	[tilespmem:s21], [sflag:$0x2] =	stream.strided.gather [hbm4b:s2+s19], $0x4000, s20, s19, $0x38;
	[tilespmem:$0x1A830] =	vst v63  }
0x2a: {  	_ =	swait.ge [sflag:s22], $0x4000  }
0x2b: {  	p0 =	seq.s32 s28, $0x0;
	s30 =	sshll.u32 s28, $0x14;
	[sflag:s22] =	ssyncset.done $0x0  }
0x2c: {  	s0 =	sor.u32 s12, s0;
	s2 =	simm.s32 @!p0 $0x3;
	[sflag:s22] =	ssyncadd.s32 $0xFFFFC000  }
0x2d: {  	s5 =	simm.s32 $0x200;
	s0 =	sshrl.u32 s0, $0x3;
	_ =	swait.ge @!p0 [sflag:s2], $0x4000  }
0x2e: {  	s31 =	sadd.s32 s3, s0;
	s0 =	simm.s32 $0x12030;
	[sflag:s2] =	ssyncset.done @!p0 $0x0  }
0x2f: {  	s14 =	sadd.s32 $0x0, s31;
	[sflag:s2] =	ssyncadd.s32 @!p0 $0xFFFFC000;
	s2 =	simm.s32 $0x120B8  }
.LBB2_3:
0x30: {  	[hbm4b:s14+s4] =	stream.linear.scatter [tilespmem:s0], [sflag:$0x3], $0x80, $0x38;
	[tilespmem:$0x1A830] =	vst v63  }
0x31: {  	s14 =	smov.u32 s5;
	s0 =	smov.u32 s2;
	p1 =	sne.s32 s5, $0xFE00  }
.Ltmp0:
0x32: {  	s5 =	sadd.s32 $0x200, s5;
	(pc) =	sbr.rel @p1 .LBB2_3-.Ltmp0, $2  }
0x33: {  	_ =	sdelay $0x2  }
0x34: {  	s2 =	sadd.s32 $0x88, s2;
	s14 =	sadd.s32 s14, s31  }
0x35: {  	p1 =	sne.s32 s28, $0xF  }
.Ltmp1:
0x36: {  	_ = 	snop;
	(pc) =	sbr.rel @p1 .LBB2_6-.Ltmp1, $2  }
0x37: {  	_ =	sdelay $0x2  }
0x38: {  	[hbm4b:s14+s4] =	stream.linear.scatter [tilespmem:s0], [sflag:$0x3], $0x80, $0x38;
	[tilespmem:$0x1A830] =	vst v63  }
.Ltmp2:
0x39: {  	(pc) =	sbr.rel .LBB2_7-.Ltmp2, $4  }
0x3a: {  	_ = 	snop  }
0x3b: {  	_ =	swait.ge [sflag:s23], $0x4000  }
0x3c: {  	[sflag:s23] =	ssyncset.done $0x0  }
0x3d: {  	[sflag:s23] =	ssyncadd.s32 $0xFFFFC000  }
.LBB2_6:
0x3e: {  	s0 =	sadd.s32 s11, s30  }
0x3f: {  	s0 =	sshrl.u32 s0, $0x3  }
.Ltmp3:
0x40: {  	s0 =	sadd.s32 s1, s0;
	(pc) =	sbr.rel @p0 .LBB2_8-.Ltmp3, $4  }
0x41: {  	[tilespmem:s4], [sflag:$0x1] =	stream.strided.gather [hbm4b:s0+s19], $0x4000, s20, s19, $0x38;
	[tilespmem:$0x1A830] =	vst v63  }
0x42: {  	_ =	swait.ge [sflag:s23], $0x4000  }
0x43: {  	[sflag:s23] =	ssyncset.done $0x0  }
0x44: {  	[sflag:s23] =	ssyncadd.s32 $0xFFFFC000  }
.LBB2_7:
0x45: {  	_ =	swait.ge [sflag:s24], $0x4000  }
0x46: {  	[sflag:s24] =	ssyncset.done $0x0  }
0x47: {  	[sflag:s24] =	ssyncadd.s32 $0xFFFFC000  }
.LBB2_8:
0x48: {  	s0 =	sor.u32 s12, s29  }
0x49: {  	s0 =	sshrl.u32 s0, $0x3  }
0x4a: {  	s5 =	simm.s32 $0x200;
	s29 =	sadd.s32 s3, s0  }
0x4b: {  	s2 =	simm.s32 $0x164B8;
	s0 =	simm.s32 $0x16430;
	s14 =	sadd.s32 $0x0, s29  }
.LBB2_9:
0x4c: {  	[hbm4b:s14+s4] =	stream.linear.scatter [tilespmem:s0], [sflag:$0x4], $0x80, $0x38;
	[tilespmem:$0x1A830] =	vst v63  }
0x4d: {  	s14 =	smov.u32 s5;
	s0 =	smov.u32 s2;
	p0 =	sne.s32 s5, $0xFE00  }
.Ltmp4:
0x4e: {  	s5 =	sadd.s32 $0x200, s5;
	(pc) =	sbr.rel @p0 .LBB2_9-.Ltmp4, $2  }
0x4f: {  	_ =	sdelay $0x2  }
0x50: {  	s2 =	sadd.s32 $0x88, s2;
	s14 =	sadd.s32 s14, s29  }
0x51: {  	s28 =	sadd.s32 $0x1, s28  }
0x52: {  	p0 =	sne.s32 s28, $0x10  }
.Ltmp5:
0x53: {  	_ = 	snop;
	(pc) =	sbr.rel @p0 .LBB2_2-.Ltmp5, $2  }
0x54: {  	_ =	sdelay $0x2  }
0x55: {  	[hbm4b:s14+s4] =	stream.linear.scatter [tilespmem:s0], [sflag:$0x4], $0x80, $0x38;
	[tilespmem:$0x1A830] =	vst v63  }
0x56: {  	s26 =	sadd.s32 $0x1, s26  }
0x57: {  	_ =	swait.ge [sflag:s25], $0x4000;
	p0 =	sne.s32 s26, s13  }
.Ltmp6:
0x58: {  	[sflag:s25] =	ssyncset.done $0x0;
	(pc) =	sbr.rel @p0 .LBB2_1-.Ltmp6, $4  }
0x59: {  	[sflag:s25] =	ssyncadd.s32 $0xFFFFC000  }
0x5a: {  	_ =	swait.ge [sflag:s24], $0x4000  }
0x5b: {  	[sflag:s24] =	ssyncset.done $0x0  }
0x5c: {  	[sflag:s24] =	ssyncadd.s32 $0xFFFFC000  }
0x5d: {  	_ =	sfence.sel $0x180000  }
0x5e: {  	[bflag:$0x0] =	sbarrier.arrive $0xFFFF  }
0x5f: {  	_ =	strace $0x90000047  }
0x60: {  	s0 =	stileid.u32;
	[bflag:$0x2] =	sbarrier.arrive $0xFFFF  }
0x61: {  	p0 =	sne.s32 s0, $0x0;
	s0 =	rddreg [dreg:$0x5]  }
0x62: {  	s0 =	sadd.s32 @!p0 $0x100000, s0  }
0x63: {  	[sflag:s0] =	ssyncadd.tile.s32 @!p0 $0x1;
	_ =	shalt  }
.Lfunc_end2:
_tile_overlayer_lowered:
.L_overlay_start_2:
0x64: {  	(tag) =	ssettag $0x2  }
0x65: {  	s0 =	rddreg [dreg:$0x0];
	s2 =	stileid.u32  }
0x66: {  	s1 =	rddreg [dreg:$0x1];
	p0 =	sne.s32 s2, $0x0  }
0x67: {  	s3 =	rddreg [dreg:$0x2];
	[bflag:$0x3] =	sbarrier.arrive $0xFFFF;
	s2 =	simm.s32 @!p0 $0x1C05  }
0x68: {  	[timem:s3], [sflag:s2] =	dma.local @!p0 [hbm:s0], s1  }
0x69: {  	s0 =	simm.s32 @!p0 $0x5  }
0x6a: {  	_ =	swait.ge @!p0 [sflag:s0], s1  }
0x6b: {  	s1 =	ssub.s32 @!p0 $0x0, s1;
	[sflag:s0] =	ssyncset.done @!p0 $0x0  }
0x6c: {  	[sflag:s0] =	ssyncadd.s32 @!p0 s1  }
0x6d: {  	[bflag:$0x3] =	sbarrier.arrive $0xFFFF  }
0x6e: {  	_ =	shalt  }

</sc_bundles>
